<compile_context>
chip_gen: v7x
topology: tpu7x:2x2x1
jax: 0.10.2.dev20260603
libtpu: 0.0.44.dev20260713+nightly
codegen_flags: <defaults>
</compile_context>

<pallas_src>
import functools

import jax
import jax.numpy as jnp
from jax import lax
from jax.experimental import pallas as pl
from jax.experimental.pallas import tpu as pltpu
from jax.experimental.pallas import tpu_sc as plsc

_SEQ = 2048
_HEADS = 16
_NUM_BUCKETS = 32
_W = 2 * _SEQ
_BLK_I = 2048
_EROWS = 128
_TILE = 128
_LANES = 16
_NWORKERS = 32
_PER_W = _HEADS * _W // _NWORKERS


def _bucket_of(q):
    n = _SEQ - q
    ret = jnp.where(n < 0, _NUM_BUCKETS // 2, 0)
    na = jnp.abs(n)
    nsq = (na * na).astype(jnp.float32)
    e = (lax.bitcast_convert_type(nsq, jnp.int32) >> 23) - 127
    val_large = jnp.minimum(8 + (e - 6), 15)
    return ret + jnp.where(na < 8, na, val_large)


def _sc_w_body(table_hbm, w_hbm, tbl_v, buf_v):
    wid = lax.axis_index("s") * 2 + lax.axis_index("c")
    head = wid >> 1
    qbase = (wid & 1) * _PER_W
    pltpu.sync_copy(table_hbm, tbl_v)
    lanes = lax.iota(jnp.int32, _LANES)
    base = head * _NUM_BUCKETS
    t_lo = tbl_v[pl.ds(base, _LANES)]
    t_hi = tbl_v[pl.ds(base + _LANES, _LANES)]

    def step(i, carry):
        q = qbase + i * _LANES + lanes
        b = _bucket_of(q)
        bl = b & (_LANES - 1)
        vals = jnp.where(
            b < _LANES,
            t_lo.at[bl].get(mode="promise_in_bounds"),
            t_hi.at[bl].get(mode="promise_in_bounds"),
        )
        buf_v[pl.ds(i * _LANES, _LANES)] = vals
        return carry

    lax.fori_loop(0, _PER_W // _LANES, step, 0)
    pltpu.sync_copy(buf_v, w_hbm.at[pl.ds(wid * _PER_W, _PER_W)])


@functools.cache
def _make_sc_w():
    return pl.kernel(
        _sc_w_body,
        mesh=plsc.VectorSubcoreMesh(core_axis_name="c", subcore_axis_name="s"),
        out_type=jax.ShapeDtypeStruct((_HEADS * _W,), jnp.float32),
        scratch_types=[
            pltpu.VMEM((_NUM_BUCKETS * _HEADS,), jnp.float32),
            pltpu.VMEM((_PER_W,), jnp.float32),
        ],
    )


def _tc_expand_body(w_ref, out_ref, e_ref):
    wv = w_ref[0, :, :]
    wb = jnp.broadcast_to(wv, (_EROWS, _W))
    e_ref[:, :] = pltpu.roll(wb, 0, axis=1, stride=1, stride_axis=0)
    nt = _SEQ // _TILE
    for gib in range(_BLK_I // _TILE):
        r0 = _TILE * gib
        start = pl.multiple_of(_TILE * nt - _TILE * gib, _TILE)
        out_ref[0, 0, r0:r0 + _TILE, :] = e_ref[:, pl.ds(start, _SEQ)]


def kernel(qk_dots, table):
    del qk_dots
    w = _make_sc_w()(table.T.reshape(-1))
    w3 = w.reshape(_HEADS, 1, _W)
    out = pl.pallas_call(
        _tc_expand_body,
        grid=(_HEADS,),
        in_specs=[pl.BlockSpec((1, 1, _W), lambda h: (h, 0, 0))],
        out_specs=pl.BlockSpec((1, 1, _BLK_I, _SEQ), lambda h: (0, h, 0, 0)),
        out_shape=jax.ShapeDtypeStruct((1, _HEADS, _SEQ, _SEQ), jnp.float32),
        scratch_shapes=[pltpu.VMEM((_EROWS, _W), jnp.float32)],
    )(w3)
    return out

# --- scband reference (transcript-rebuilt; emitter-appended) ---
"""Pipeline reference for scband-relative-position-bias-14353780703681 (READ-ONLY COPY).

The authoritative reference and input builder live on the scoring server;
editing this copy changes nothing except your own understanding.
"""

import math
import jax, jax.numpy as jnp
import numpy as np

NUM_BUCKETS = 32
MAX_DISTANCE = 128
HEADS = 16
CAUSAL = False
SEQ = 2048


def _relative_position_bucket(relative_position, causal=False, num_buckets=32, max_distance=128):
    ret = jnp.zeros_like(relative_position)
    n = -relative_position
    if not causal:
        num_buckets //= 2
        ret = ret + (n < 0).astype(relative_position.dtype) * num_buckets
        n = jnp.abs(n)
    else:
        n = jnp.maximum(n, jnp.zeros_like(n))
    max_exact = num_buckets // 2
    is_small = n < max_exact
    val_if_large = max_exact + (
        jnp.log(n.astype(jnp.float32) / max_exact)
        / math.log(max_distance / max_exact)
        * (num_buckets - max_exact)
    ).astype(relative_position.dtype)
    val_if_large = jnp.minimum(val_if_large, jnp.full_like(val_if_large, num_buckets - 1))
    ret = ret + jnp.where(is_small, n, val_if_large)
    return ret


def setup_inputs(seed: int = 0) -> dict:
    key = jax.random.key(seed)
    qk_dots = jnp.zeros((1, HEADS, SEQ, SEQ), dtype=jnp.float32)
    table = jax.random.normal(jax.random.fold_in(key, 1), (NUM_BUCKETS, HEADS), dtype=jnp.float32) * 0.02
    return {"qk_dots": qk_dots, "table": table}


def reference(qk_dots, table):
    i, j = qk_dots.shape[-2], qk_dots.shape[-1]
    q_pos = jnp.arange(i, dtype=jnp.int32)
    k_pos = jnp.arange(j, dtype=jnp.int32)
    rel_pos = k_pos[None, :] - q_pos[:, None]
    rp_bucket = _relative_position_bucket(rel_pos, causal=CAUSAL, num_buckets=NUM_BUCKETS, max_distance=MAX_DISTANCE)
    values = jnp.take(table, rp_bucket, axis=0)  # [i, j, h]
    bias = jnp.transpose(values, (2, 0, 1))[None, :, :, :]  # [1, h, i, j]
    return bias

if __name__ == "__main__":
    import jax
    _d = setup_inputs()
    print(jax.jit(kernel)(*tuple(_d.values())))

</pallas_src>

<mosaic_0001>
#map = affine_map<(d0, d1) -> (0)>
module attributes {stable_mosaic.version = 14 : i64} {
  func.func @_sc_w_body(%arg0: i32, %arg1: i32, %arg2: memref<512xf32, #tpu.memory_space<hbm>>, %arg3: memref<65536xf32, #tpu.memory_space<hbm>>, %arg4: memref<512xf32, #tpu.memory_space<vmem>>, %arg5: memref<2048xf32, #tpu.memory_space<vmem>>) attributes {dimension_semantics = [#tpu.dimension_semantics<core_parallel>, #tpu.dimension_semantics<subcore_parallel>], iteration_bounds = array<i64: 2, 16>, scalar_prefetch = 0 : i64, scratch_operands = 2 : i64, tpu.core_type = #tpu.core_type<sc_vector_subcore>, window_params = [{transform_indices = #map}, {transform_indices = #map}]} {
    %mul3A = arith.constant 2 : i32
    %mul3A_0 = arith.muli %arg1, %mul3A : i32
    %add3A = arith.addi %mul3A_0, %arg0 : i32
    %shift_right_arithmetic3A = arith.constant 1 : i32
    %shift_right_arithmetic3A_1 = arith.shrsi %add3A, %shift_right_arithmetic3A : i32
    %and3A = arith.constant 1 : i32
    %and3A_2 = arith.andi %add3A, %and3A : i32
    %mul3A_3 = arith.constant 2048 : i32
    %mul3A_4 = arith.muli %and3A_2, %mul3A_3 : i32
    "tpu.region"() ({
      %run_scoped3A = tpu.sem_alloc : memref<!tpu.dma_semaphore, #tpu.memory_space<semaphore_mem>>
      tpu.enqueue_dma source(%arg2 : memref<512xf32, #tpu.memory_space<hbm>>) target(%arg4 : memref<512xf32, #tpu.memory_space<vmem>>) target_semaphore(%run_scoped3A : memref<!tpu.dma_semaphore, #tpu.memory_space<semaphore_mem>>)
      tpu.wait_dma2 semaphore(%run_scoped3A : memref<!tpu.dma_semaphore, #tpu.memory_space<semaphore_mem>>) src(%arg2 : memref<512xf32, #tpu.memory_space<hbm>>) dst(%arg4 : memref<512xf32, #tpu.memory_space<vmem>>)
      tpu.yield
    }) : () -> ()
    %iota3A = tpu.iota {dimensions = array<i32: 0>} : vector<16xi32>
    %mul3A_5 = arith.constant 32 : i32
    %mul3A_6 = arith.muli %shift_right_arithmetic3A_1, %mul3A_5 : i32
    %get3A = arith.index_cast %mul3A_6 : i32 to index
    %get3A_7 = tpu.vector_load %arg4[%get3A] {strides = array<i32>} : memref<512xf32, #tpu.memory_space<vmem>>, vector<16xf32>,
    %get3A_8 = vector.shape_cast %get3A_7 : vector<16xf32> to vector<16xf32>
    %add3A_9 = arith.constant 16 : i32
    %add3A_10 = arith.addi %mul3A_6, %add3A_9 : i32
    %get3A_11 = arith.index_cast %add3A_10 : i32 to index
    %get3A_12 = tpu.vector_load %arg4[%get3A_11] {strides = array<i32>} : memref<512xf32, #tpu.memory_space<vmem>>, vector<16xf32>,
    %get3A_13 = vector.shape_cast %get3A_12 : vector<16xf32> to vector<16xf32>
    %scan3A = arith.constant 0 : i32
    %scan3A_14 = arith.constant 0 : i32
    %scan3A_15 = arith.constant 128 : i32
    %scan3A_16 = arith.addi %scan3A_14, %scan3A_15 : i32
    %scan3A_17 = arith.constant 1 : i32
    scf.for %scan3A_21 = %scan3A_14 to %scan3A_16 step %scan3A_17  : i32 {
      %mul3A_22 = arith.constant 16 : i32
      %mul3A_23 = arith.muli %scan3A_21, %mul3A_22 : i32
      %add3A_24 = arith.addi %mul3A_4, %mul3A_23 : i32
      %add3A_25 = vector.broadcast %add3A_24 : i32 to vector<16xi32>
      %add3A_26 = arith.addi %add3A_25, %iota3A : vector<16xi32>
      %sub3A = arith.constant 2048 : i32
      %sub3A_27 = vector.broadcast %sub3A : i32 to vector<16xi32>
      %sub3A_28 = arith.subi %sub3A_27, %add3A_26 : vector<16xi32>
      %lt3A = arith.constant 0 : i32
      %lt3A_29 = vector.broadcast %lt3A : i32 to vector<16xi32>
      %lt3A_30 = arith.cmpi slt, %sub3A_28, %lt3A_29 : vector<16xi32>
      %jit3A = arith.constant 16 : i32
      %jit3A_31 = arith.constant 0 : i32
      %broadcast_in_dim3A = vector.broadcast %jit3A : i32 to vector<16xi32>
      %broadcast_in_dim3A_32 = vector.broadcast %jit3A_31 : i32 to vector<16xi32>
      %select_n3A = arith.select %lt3A_30, %broadcast_in_dim3A, %broadcast_in_dim3A_32 : vector<16xi1>, vector<16xi32>
      %abs3A = math.absi %sub3A_28 : vector<16xi32>
      %mul3A_33 = arith.muli %abs3A, %abs3A : vector<16xi32>
      %convert_element_type3A = arith.sitofp %mul3A_33 : vector<16xi32> to vector<16xf32>
      %bitcast_convert_type3A = tpu.bitcast %convert_element_type3A : vector<16xf32> -> vector<16xi32>
      %shift_right_arithmetic3A_34 = arith.constant 23 : i32
      %shift_right_arithmetic3A_35 = vector.broadcast %shift_right_arithmetic3A_34 : i32 to vector<16xi32>
      %shift_right_arithmetic3A_36 = arith.shrsi %bitcast_convert_type3A, %shift_right_arithmetic3A_35 : vector<16xi32>
      %sub3A_37 = arith.constant 127 : i32
      %sub3A_38 = vector.broadcast %sub3A_37 : i32 to vector<16xi32>
      %sub3A_39 = arith.subi %shift_right_arithmetic3A_36, %sub3A_38 : vector<16xi32>
      %sub3A_40 = arith.constant 6 : i32
      %sub3A_41 = vector.broadcast %sub3A_40 : i32 to vector<16xi32>
      %sub3A_42 = arith.subi %sub3A_39, %sub3A_41 : vector<16xi32>
      %add3A_43 = arith.constant 8 : i32
      %add3A_44 = vector.broadcast %add3A_43 : i32 to vector<16xi32>
      %add3A_45 = arith.addi %add3A_44, %sub3A_42 : vector<16xi32>
      %min3A = arith.constant 15 : i32
      %min3A_46 = vector.broadcast %min3A : i32 to vector<16xi32>
      %min3A_47 = arith.minsi %add3A_45, %min3A_46 : vector<16xi32>
      %lt3A_48 = arith.constant 8 : i32
      %lt3A_49 = vector.broadcast %lt3A_48 : i32 to vector<16xi32>
      %lt3A_50 = arith.cmpi slt, %abs3A, %lt3A_49 : vector<16xi32>
      %select_n3A_51 = arith.select %lt3A_50, %abs3A, %min3A_47 : vector<16xi1>, vector<16xi32>
      %add3A_52 = arith.addi %select_n3A, %select_n3A_51 : vector<16xi32>
      %and3A_53 = arith.constant 15 : i32
      %and3A_54 = vector.broadcast %and3A_53 : i32 to vector<16xi32>
      %and3A_55 = arith.andi %add3A_52, %and3A_54 : vector<16xi32>
      %lt3A_56 = arith.constant 16 : i32
      %lt3A_57 = vector.broadcast %lt3A_56 : i32 to vector<16xi32>
      %lt3A_58 = arith.cmpi slt, %add3A_52, %lt3A_57 : vector<16xi32>
      %lt3A_59 = arith.constant 0 : i32
      %lt3A_60 = vector.broadcast %lt3A_59 : i32 to vector<16xi32>
      %lt3A_61 = arith.cmpi slt, %and3A_55, %lt3A_60 : vector<16xi32>
      %add3A_62 = arith.constant 16 : i32
      %add3A_63 = vector.broadcast %add3A_62 : i32 to vector<16xi32>
      %add3A_64 = arith.addi %and3A_55, %add3A_63 : vector<16xi32>
      %select_n3A_65 = arith.select %lt3A_61, %add3A_64, %and3A_55 : vector<16xi1>, vector<16xi32>
      %broadcast_in_dim3A_66 = vector.shape_cast %select_n3A_65 : vector<16xi32> to vector<16x1xi32>
      %gather3A = vector.shape_cast %broadcast_in_dim3A_66 : vector<16x1xi32> to vector<16xi32>
      %gather3A_67 = tpu.dynamic_gather %get3A_8[%gather3A] in [0] : vector<16xf32>, vector<16xi32> -> vector<16xf32>
      %lt3A_68 = arith.constant 0 : i32
      %lt3A_69 = vector.broadcast %lt3A_68 : i32 to vector<16xi32>
      %lt3A_70 = arith.cmpi slt, %and3A_55, %lt3A_69 : vector<16xi32>
      %add3A_71 = arith.constant 16 : i32
      %add3A_72 = vector.broadcast %add3A_71 : i32 to vector<16xi32>
      %add3A_73 = arith.addi %and3A_55, %add3A_72 : vector<16xi32>
      %select_n3A_74 = arith.select %lt3A_70, %add3A_73, %and3A_55 : vector<16xi1>, vector<16xi32>
      %broadcast_in_dim3A_75 = vector.shape_cast %select_n3A_74 : vector<16xi32> to vector<16x1xi32>
      %gather3A_76 = vector.shape_cast %broadcast_in_dim3A_75 : vector<16x1xi32> to vector<16xi32>
      %gather3A_77 = tpu.dynamic_gather %get3A_13[%gather3A_76] in [0] : vector<16xf32>, vector<16xi32> -> vector<16xf32>
      %select_n3A_78 = arith.select %lt3A_58, %gather3A_67, %gather3A_77 : vector<16xi1>, vector<16xf32>
      %mul3A_79 = arith.constant 16 : i32
      %mul3A_80 = arith.muli %scan3A_21, %mul3A_79 : i32
      %swap3A = arith.index_cast %mul3A_80 : i32 to index
      %swap3A_81 = tpu.vector_load %arg5[%swap3A] {strides = array<i32>} : memref<2048xf32, #tpu.memory_space<vmem>>, vector<16xf32>,
      %swap3A_82 = vector.shape_cast %swap3A_81 : vector<16xf32> to vector<16xf32>
      %swap3A_83 = vector.shape_cast %select_n3A_78 : vector<16xf32> to vector<16xf32>
      tpu.vector_store %arg5[%swap3A], %swap3A_83 {strides = array<i32>} : memref<2048xf32, #tpu.memory_space<vmem>>, vector<16xf32>,
    }
    %scan3A_18 = arith.constant 128 : i32
    %mul3A_19 = arith.constant 2048 : i32
    %mul3A_20 = arith.muli %add3A, %mul3A_19 : i32
    "tpu.region"() ({
      %run_scoped3A = tpu.sem_alloc : memref<!tpu.dma_semaphore, #tpu.memory_space<semaphore_mem>>
      %dma_start3A = tpu.memref_slice %arg3[%mul3A_20] : memref<65536xf32, #tpu.memory_space<hbm>> -> memref<2048xf32, #tpu.memory_space<hbm>>
      %dma_start3A_21 = tpu.memref_slice %arg3[%mul3A_20] : memref<65536xf32, #tpu.memory_space<hbm>> -> memref<2048xf32, #tpu.memory_space<hbm>>
      tpu.enqueue_dma source(%arg5 : memref<2048xf32, #tpu.memory_space<vmem>>) target(%dma_start3A_21 : memref<2048xf32, #tpu.memory_space<hbm>>) target_semaphore(%run_scoped3A : memref<!tpu.dma_semaphore, #tpu.memory_space<semaphore_mem>>)
      %dma_wait3A = tpu.memref_slice %arg3[%mul3A_20] : memref<65536xf32, #tpu.memory_space<hbm>> -> memref<2048xf32, #tpu.memory_space<hbm>>
      %dma_wait3A_22 = tpu.memref_slice %arg3[%mul3A_20] : memref<65536xf32, #tpu.memory_space<hbm>> -> memref<2048xf32, #tpu.memory_space<hbm>>
      tpu.wait_dma2 semaphore(%run_scoped3A : memref<!tpu.dma_semaphore, #tpu.memory_space<semaphore_mem>>) src(%arg5 : memref<2048xf32, #tpu.memory_space<vmem>>) dst(%dma_wait3A_22 : memref<2048xf32, #tpu.memory_space<hbm>>)
      tpu.yield
    }) : () -> ()
    return
  }
}

module attributes {stable_mosaic.version = 14 : i64} {
  func.func @_tc_expand_body(%arg0: i32, %arg1: memref<1x1x4096xf32, #tpu.memory_space<vmem>>, %arg2: memref<1x1x2048x2048xf32, #tpu.memory_space<vmem>>, %arg3: memref<128x4096xf32, #tpu.memory_space<vmem>>) attributes {dimension_semantics = [#tpu.dimension_semantics<arbitrary>], iteration_bounds = array<i64: 16>, scalar_prefetch = 0 : i64, scratch_operands = 1 : i64, tpu.core_type = #tpu.core_type<tc>, window_params = [{transform_indices = @transform_0, window_bounds = array<i64: 1, 1, 4096>}, {transform_indices = @transform_1, window_bounds = array<i64: 1, 1, 2048, 2048>}]} {
    %get3A = arith.constant 0 : index
    %get3A_0 = arith.constant 0 : index
    %get3A_1 = arith.constant 0 : index
    %get3A_2 = vector.load %arg1[%get3A, %get3A_0, %get3A_1] : memref<1x1x4096xf32, #tpu.memory_space<vmem>>, vector<1x1x4096xf32>
    %get3A_3 = vector.shape_cast %get3A_2 : vector<1x1x4096xf32> to vector<1x4096xf32>
    %broadcast_in_dim3A = vector.shape_cast %get3A_3 : vector<1x4096xf32> to vector<1x4096xf32>
    %broadcast_in_dim3A_4 = vector.broadcast %broadcast_in_dim3A : vector<1x4096xf32> to vector<128x4096xf32>
    %roll3A = arith.constant 0 : i32
    %roll3A_5 = tpu.dynamic_rotate %broadcast_in_dim3A_4 by %roll3A dim 1 {stride = 1 : si32, stride_dimension = 0 : si32} : vector<128x4096xf32>, i32 -> vector<128x4096xf32>
    %swap3A = arith.constant 0 : index
    %swap3A_6 = arith.constant 0 : index
    %swap3A_7 = vector.load %arg3[%swap3A, %swap3A_6] : memref<128x4096xf32, #tpu.memory_space<vmem>>, vector<128x4096xf32>
    tpu.vector_store %arg3[%swap3A, %swap3A_6], %roll3A_5 {strides = array<i32>} : memref<128x4096xf32, #tpu.memory_space<vmem>>, vector<128x4096xf32>,
    %multiple_of3A = arith.constant 2048 : i32
    %multiple_of3A_8 = tpu.assume_multiple %multiple_of3A, 128 : i32
    %get3A_9 = arith.constant 0 : index
    %get3A_10 = arith.index_cast %multiple_of3A_8 : i32 to index
    %get3A_11 = vector.load %arg3[%get3A_9, %get3A_10] : memref<128x4096xf32, #tpu.memory_space<vmem>>, vector<128x2048xf32>
    %swap3A_12 = arith.constant 0 : index
    %swap3A_13 = arith.constant 0 : index
    %swap3A_14 = arith.constant 0 : index
    %swap3A_15 = arith.constant 0 : index
    %swap3A_16 = vector.load %arg2[%swap3A_12, %swap3A_13, %swap3A_14, %swap3A_15] : memref<1x1x2048x2048xf32, #tpu.memory_space<vmem>>, vector<1x1x128x2048xf32>
    %swap3A_17 = vector.shape_cast %swap3A_16 : vector<1x1x128x2048xf32> to vector<128x2048xf32>
    %swap3A_18 = vector.shape_cast %get3A_11 : vector<128x2048xf32> to vector<1x1x128x2048xf32>
    tpu.vector_store %arg2[%swap3A_12, %swap3A_13, %swap3A_14, %swap3A_15], %swap3A_18 {strides = array<i32>} : memref<1x1x2048x2048xf32, #tpu.memory_space<vmem>>, vector<1x1x128x2048xf32>,
    %multiple_of3A_19 = arith.constant 1920 : i32
    %multiple_of3A_20 = tpu.assume_multiple %multiple_of3A_19, 128 : i32
    %get3A_21 = arith.constant 0 : index
    %get3A_22 = arith.index_cast %multiple_of3A_20 : i32 to index
    %get3A_23 = vector.load %arg3[%get3A_21, %get3A_22] : memref<128x4096xf32, #tpu.memory_space<vmem>>, vector<128x2048xf32>
    %swap3A_24 = arith.constant 0 : index
    %swap3A_25 = arith.constant 0 : index
    %swap3A_26 = arith.constant 128 : index
    %swap3A_27 = arith.constant 0 : index
    %swap3A_28 = vector.load %arg2[%swap3A_24, %swap3A_25, %swap3A_26, %swap3A_27] : memref<1x1x2048x2048xf32, #tpu.memory_space<vmem>>, vector<1x1x128x2048xf32>
    %swap3A_29 = vector.shape_cast %swap3A_28 : vector<1x1x128x2048xf32> to vector<128x2048xf32>
    %swap3A_30 = vector.shape_cast %get3A_23 : vector<128x2048xf32> to vector<1x1x128x2048xf32>
    tpu.vector_store %arg2[%swap3A_24, %swap3A_25, %swap3A_26, %swap3A_27], %swap3A_30 {strides = array<i32>} : memref<1x1x2048x2048xf32, #tpu.memory_space<vmem>>, vector<1x1x128x2048xf32>,
    %multiple_of3A_31 = arith.constant 1792 : i32
    %multiple_of3A_32 = tpu.assume_multiple %multiple_of3A_31, 128 : i32
    %get3A_33 = arith.constant 0 : index
    %get3A_34 = arith.index_cast %multiple_of3A_32 : i32 to index
    %get3A_35 = vector.load %arg3[%get3A_33, %get3A_34] : memref<128x4096xf32, #tpu.memory_space<vmem>>, vector<128x2048xf32>
    %swap3A_36 = arith.constant 0 : index
    %swap3A_37 = arith.constant 0 : index
    %swap3A_38 = arith.constant 256 : index
    %swap3A_39 = arith.constant 0 : index
    %swap3A_40 = vector.load %arg2[%swap3A_36, %swap3A_37, %swap3A_38, %swap3A_39] : memref<1x1x2048x2048xf32, #tpu.memory_space<vmem>>, vector<1x1x128x2048xf32>
    %swap3A_41 = vector.shape_cast %swap3A_40 : vector<1x1x128x2048xf32> to vector<128x2048xf32>
    %swap3A_42 = vector.shape_cast %get3A_35 : vector<128x2048xf32> to vector<1x1x128x2048xf32>
    tpu.vector_store %arg2[%swap3A_36, %swap3A_37, %swap3A_38, %swap3A_39], %swap3A_42 {strides = array<i32>} : memref<1x1x2048x2048xf32, #tpu.memory_space<vmem>>, vector<1x1x128x2048xf32>,
    %multiple_of3A_43 = arith.constant 1664 : i32
    %multiple_of3A_44 = tpu.assume_multiple %multiple_of3A_43, 128 : i32
    %get3A_45 = arith.constant 0 : index
    %get3A_46 = arith.index_cast %multiple_of3A_44 : i32 to index
    %get3A_47 = vector.load %arg3[%get3A_45, %get3A_46] : memref<128x4096xf32, #tpu.memory_space<vmem>>, vector<128x2048xf32>
    %swap3A_48 = arith.constant 0 : index
    %swap3A_49 = arith.constant 0 : index
    %swap3A_50 = arith.constant 384 : index
    %swap3A_51 = arith.constant 0 : index
    %swap3A_52 = vector.load %arg2[%swap3A_48, %swap3A_49, %swap3A_50, %swap3A_51] : memref<1x1x2048x2048xf32, #tpu.memory_space<vmem>>, vector<1x1x128x2048xf32>
    %swap3A_53 = vector.shape_cast %swap3A_52 : vector<1x1x128x2048xf32> to vector<128x2048xf32>
    %swap3A_54 = vector.shape_cast %get3A_47 : vector<128x2048xf32> to vector<1x1x128x2048xf32>
    tpu.vector_store %arg2[%swap3A_48, %swap3A_49, %swap3A_50, %swap3A_51], %swap3A_54 {strides = array<i32>} : memref<1x1x2048x2048xf32, #tpu.memory_space<vmem>>, vector<1x1x128x2048xf32>,
    %multiple_of3A_55 = arith.constant 1536 : i32
    %multiple_of3A_56 = tpu.assume_multiple %multiple_of3A_55, 128 : i32
    %get3A_57 = arith.constant 0 : index
    %get3A_58 = arith.index_cast %multiple_of3A_56 : i32 to index
    %get3A_59 = vector.load %arg3[%get3A_57, %get3A_58] : memref<128x4096xf32, #tpu.memory_space<vmem>>, vector<128x2048xf32>
    %swap3A_60 = arith.constant 0 : index
    %swap3A_61 = arith.constant 0 : index
    %swap3A_62 = arith.constant 512 : index
    %swap3A_63 = arith.constant 0 : index
    %swap3A_64 = vector.load %arg2[%swap3A_60, %swap3A_61, %swap3A_62, %swap3A_63] : memref<1x1x2048x2048xf32, #tpu.memory_space<vmem>>, vector<1x1x128x2048xf32>
    %swap3A_65 = vector.shape_cast %swap3A_64 : vector<1x1x128x2048xf32> to vector<128x2048xf32>
    %swap3A_66 = vector.shape_cast %get3A_59 : vector<128x2048xf32> to vector<1x1x128x2048xf32>
    tpu.vector_store %arg2[%swap3A_60, %swap3A_61, %swap3A_62, %swap3A_63], %swap3A_66 {strides = array<i32>} : memref<1x1x2048x2048xf32, #tpu.memory_space<vmem>>, vector<1x1x128x2048xf32>,
    %multiple_of3A_67 = arith.constant 1408 : i32
    %multiple_of3A_68 = tpu.assume_multiple %multiple_of3A_67, 128 : i32
    %get3A_69 = arith.constant 0 : index
    %get3A_70 = arith.index_cast %multiple_of3A_68 : i32 to index
    %get3A_71 = vector.load %arg3[%get3A_69, %get3A_70] : memref<128x4096xf32, #tpu.memory_space<vmem>>, vector<128x2048xf32>
    %swap3A_72 = arith.constant 0 : index
    %swap3A_73 = arith.constant 0 : index
    %swap3A_74 = arith.constant 640 : index
    %swap3A_75 = arith.constant 0 : index
    %swap3A_76 = vector.load %arg2[%swap3A_72, %swap3A_73, %swap3A_74, %swap3A_75] : memref<1x1x2048x2048xf32, #tpu.memory_space<vmem>>, vector<1x1x128x2048xf32>
    %swap3A_77 = vector.shape_cast %swap3A_76 : vector<1x1x128x2048xf32> to vector<128x2048xf32>
    %swap3A_78 = vector.shape_cast %get3A_71 : vector<128x2048xf32> to vector<1x1x128x2048xf32>
    tpu.vector_store %arg2[%swap3A_72, %swap3A_73, %swap3A_74, %swap3A_75], %swap3A_78 {strides = array<i32>} : memref<1x1x2048x2048xf32, #tpu.memory_space<vmem>>, vector<1x1x128x2048xf32>,
    %multiple_of3A_79 = arith.constant 1280 : i32
    %multiple_of3A_80 = tpu.assume_multiple %multiple_of3A_79, 128 : i32
    %get3A_81 = arith.constant 0 : index
    %get3A_82 = arith.index_cast %multiple_of3A_80 : i32 to index
    %get3A_83 = vector.load %arg3[%get3A_81, %get3A_82] : memref<128x4096xf32, #tpu.memory_space<vmem>>, vector<128x2048xf32>
    %swap3A_84 = arith.constant 0 : index
    %swap3A_85 = arith.constant 0 : index
    %swap3A_86 = arith.constant 768 : index
    %swap3A_87 = arith.constant 0 : index
    %swap3A_88 = vector.load %arg2[%swap3A_84, %swap3A_85, %swap3A_86, %swap3A_87] : memref<1x1x2048x2048xf32, #tpu.memory_space<vmem>>, vector<1x1x128x2048xf32>
    %swap3A_89 = vector.shape_cast %swap3A_88 : vector<1x1x128x2048xf32> to vector<128x2048xf32>
    %swap3A_90 = vector.shape_cast %get3A_83 : vector<128x2048xf32> to vector<1x1x128x2048xf32>
    tpu.vector_store %arg2[%swap3A_84, %swap3A_85, %swap3A_86, %swap3A_87], %swap3A_90 {strides = array<i32>} : memref<1x1x2048x2048xf32, #tpu.memory_space<vmem>>, vector<1x1x128x2048xf32>,
    %multiple_of3A_91 = arith.constant 1152 : i32
    %multiple_of3A_92 = tpu.assume_multiple %multiple_of3A_91, 128 : i32
    %get3A_93 = arith.constant 0 : index
    %get3A_94 = arith.index_cast %multiple_of3A_92 : i32 to index
    %get3A_95 = vector.load %arg3[%get3A_93, %get3A_94] : memref<128x4096xf32, #tpu.memory_space<vmem>>, vector<128x2048xf32>
    %swap3A_96 = arith.constant 0 : index
    %swap3A_97 = arith.constant 0 : index
    %swap3A_98 = arith.constant 896 : index
    %swap3A_99 = arith.constant 0 : index
    %swap3A_100 = vector.load %arg2[%swap3A_96, %swap3A_97, %swap3A_98, %swap3A_99] : memref<1x1x2048x2048xf32, #tpu.memory_space<vmem>>, vector<1x1x128x2048xf32>
    %swap3A_101 = vector.shape_cast %swap3A_100 : vector<1x1x128x2048xf32> to vector<128x2048xf32>
    %swap3A_102 = vector.shape_cast %get3A_95 : vector<128x2048xf32> to vector<1x1x128x2048xf32>
    tpu.vector_store %arg2[%swap3A_96, %swap3A_97, %swap3A_98, %swap3A_99], %swap3A_102 {strides = array<i32>} : memref<1x1x2048x2048xf32, #tpu.memory_space<vmem>>, vector<1x1x128x2048xf32>,
    %multiple_of3A_103 = arith.constant 1024 : i32
    %multiple_of3A_104 = tpu.assume_multiple %multiple_of3A_103, 128 : i32
    %get3A_105 = arith.constant 0 : index
    %get3A_106 = arith.index_cast %multiple_of3A_104 : i32 to index
    %get3A_107 = vector.load %arg3[%get3A_105, %get3A_106] : memref<128x4096xf32, #tpu.memory_space<vmem>>, vector<128x2048xf32>
    %swap3A_108 = arith.constant 0 : index
    %swap3A_109 = arith.constant 0 : index
    %swap3A_110 = arith.constant 1024 : index
    %swap3A_111 = arith.constant 0 : index
    %swap3A_112 = vector.load %arg2[%swap3A_108, %swap3A_109, %swap3A_110, %swap3A_111] : memref<1x1x2048x2048xf32, #tpu.memory_space<vmem>>, vector<1x1x128x2048xf32>
    %swap3A_113 = vector.shape_cast %swap3A_112 : vector<1x1x128x2048xf32> to vector<128x2048xf32>
    %swap3A_114 = vector.shape_cast %get3A_107 : vector<128x2048xf32> to vector<1x1x128x2048xf32>
    tpu.vector_store %arg2[%swap3A_108, %swap3A_109, %swap3A_110, %swap3A_111], %swap3A_114 {strides = array<i32>} : memref<1x1x2048x2048xf32, #tpu.memory_space<vmem>>, vector<1x1x128x2048xf32>,
    %multiple_of3A_115 = arith.constant 896 : i32
    %multiple_of3A_116 = tpu.assume_multiple %multiple_of3A_115, 128 : i32
    %get3A_117 = arith.constant 0 : index
    %get3A_118 = arith.index_cast %multiple_of3A_116 : i32 to index
    %get3A_119 = vector.load %arg3[%get3A_117, %get3A_118] : memref<128x4096xf32, #tpu.memory_space<vmem>>, vector<128x2048xf32>
    %swap3A_120 = arith.constant 0 : index
    %swap3A_121 = arith.constant 0 : index
    %swap3A_122 = arith.constant 1152 : index
    %swap3A_123 = arith.constant 0 : index
    %swap3A_124 = vector.load %arg2[%swap3A_120, %swap3A_121, %swap3A_122, %swap3A_123] : memref<1x1x2048x2048xf32, #tpu.memory_space<vmem>>, vector<1x1x128x2048xf32>
    %swap3A_125 = vector.shape_cast %swap3A_124 : vector<1x1x128x2048xf32> to vector<128x2048xf32>
    %swap3A_126 = vector.shape_cast %get3A_119 : vector<128x2048xf32> to vector<1x1x128x2048xf32>
    tpu.vector_store %arg2[%swap3A_120, %swap3A_121, %swap3A_122, %swap3A_123], %swap3A_126 {strides = array<i32>} : memref<1x1x2048x2048xf32, #tpu.memory_space<vmem>>, vector<1x1x128x2048xf32>,
    %multiple_of3A_127 = arith.constant 768 : i32
    %multiple_of3A_128 = tpu.assume_multiple %multiple_of3A_127, 128 : i32
    %get3A_129 = arith.constant 0 : index
    %get3A_130 = arith.index_cast %multiple_of3A_128 : i32 to index
    %get3A_131 = vector.load %arg3[%get3A_129, %get3A_130] : memref<128x4096xf32, #tpu.memory_space<vmem>>, vector<128x2048xf32>
    %swap3A_132 = arith.constant 0 : index
    %swap3A_133 = arith.constant 0 : index
    %swap3A_134 = arith.constant 1280 : index
    %swap3A_135 = arith.constant 0 : index
    %swap3A_136 = vector.load %arg2[%swap3A_132, %swap3A_133, %swap3A_134, %swap3A_135] : memref<1x1x2048x2048xf32, #tpu.memory_space<vmem>>, vector<1x1x128x2048xf32>
    %swap3A_137 = vector.shape_cast %swap3A_136 : vector<1x1x128x2048xf32> to vector<128x2048xf32>
    %swap3A_138 = vector.shape_cast %get3A_131 : vector<128x2048xf32> to vector<1x1x128x2048xf32>
    tpu.vector_store %arg2[%swap3A_132, %swap3A_133, %swap3A_134, %swap3A_135], %swap3A_138 {strides = array<i32>} : memref<1x1x2048x2048xf32, #tpu.memory_space<vmem>>, vector<1x1x128x2048xf32>,
    %multiple_of3A_139 = arith.constant 640 : i32
    %multiple_of3A_140 = tpu.assume_multiple %multiple_of3A_139, 128 : i32
    %get3A_141 = arith.constant 0 : index
    %get3A_142 = arith.index_cast %multiple_of3A_140 : i32 to index
    %get3A_143 = vector.load %arg3[%get3A_141, %get3A_142] : memref<128x4096xf32, #tpu.memory_space<vmem>>, vector<128x2048xf32>
    %swap3A_144 = arith.constant 0 : index
    %swap3A_145 = arith.constant 0 : index
    %swap3A_146 = arith.constant 1408 : index
    %swap3A_147 = arith.constant 0 : index
    %swap3A_148 = vector.load %arg2[%swap3A_144, %swap3A_145, %swap3A_146, %swap3A_147] : memref<1x1x2048x2048xf32, #tpu.memory_space<vmem>>, vector<1x1x128x2048xf32>
    %swap3A_149 = vector.shape_cast %swap3A_148 : vector<1x1x128x2048xf32> to vector<128x2048xf32>
    %swap3A_150 = vector.shape_cast %get3A_143 : vector<128x2048xf32> to vector<1x1x128x2048xf32>
    tpu.vector_store %arg2[%swap3A_144, %swap3A_145, %swap3A_146, %swap3A_147], %swap3A_150 {strides = array<i32>} : memref<1x1x2048x2048xf32, #tpu.memory_space<vmem>>, vector<1x1x128x2048xf32>,
    %multiple_of3A_151 = arith.constant 512 : i32
    %multiple_of3A_152 = tpu.assume_multiple %multiple_of3A_151, 128 : i32
    %get3A_153 = arith.constant 0 : index
    %get3A_154 = arith.index_cast %multiple_of3A_152 : i32 to index
    %get3A_155 = vector.load %arg3[%get3A_153, %get3A_154] : memref<128x4096xf32, #tpu.memory_space<vmem>>, vector<128x2048xf32>
    %swap3A_156 = arith.constant 0 : index
    %swap3A_157 = arith.constant 0 : index
    %swap3A_158 = arith.constant 1536 : index
    %swap3A_159 = arith.constant 0 : index
    %swap3A_160 = vector.load %arg2[%swap3A_156, %swap3A_157, %swap3A_158, %swap3A_159] : memref<1x1x2048x2048xf32, #tpu.memory_space<vmem>>, vector<1x1x128x2048xf32>
    %swap3A_161 = vector.shape_cast %swap3A_160 : vector<1x1x128x2048xf32> to vector<128x2048xf32>
    %swap3A_162 = vector.shape_cast %get3A_155 : vector<128x2048xf32> to vector<1x1x128x2048xf32>
    tpu.vector_store %arg2[%swap3A_156, %swap3A_157, %swap3A_158, %swap3A_159], %swap3A_162 {strides = array<i32>} : memref<1x1x2048x2048xf32, #tpu.memory_space<vmem>>, vector<1x1x128x2048xf32>,
    %multiple_of3A_163 = arith.constant 384 : i32
    %multiple_of3A_164 = tpu.assume_multiple %multiple_of3A_163, 128 : i32
    %get3A_165 = arith.constant 0 : index
    %get3A_166 = arith.index_cast %multiple_of3A_164 : i32 to index
    %get3A_167 = vector.load %arg3[%get3A_165, %get3A_166] : memref<128x4096xf32, #tpu.memory_space<vmem>>, vector<128x2048xf32>
    %swap3A_168 = arith.constant 0 : index
    %swap3A_169 = arith.constant 0 : index
    %swap3A_170 = arith.constant 1664 : index
    %swap3A_171 = arith.constant 0 : index
    %swap3A_172 = vector.load %arg2[%swap3A_168, %swap3A_169, %swap3A_170, %swap3A_171] : memref<1x1x2048x2048xf32, #tpu.memory_space<vmem>>, vector<1x1x128x2048xf32>
    %swap3A_173 = vector.shape_cast %swap3A_172 : vector<1x1x128x2048xf32> to vector<128x2048xf32>
    %swap3A_174 = vector.shape_cast %get3A_167 : vector<128x2048xf32> to vector<1x1x128x2048xf32>
    tpu.vector_store %arg2[%swap3A_168, %swap3A_169, %swap3A_170, %swap3A_171], %swap3A_174 {strides = array<i32>} : memref<1x1x2048x2048xf32, #tpu.memory_space<vmem>>, vector<1x1x128x2048xf32>,
    %multiple_of3A_175 = arith.constant 256 : i32
    %multiple_of3A_176 = tpu.assume_multiple %multiple_of3A_175, 128 : i32
    %get3A_177 = arith.constant 0 : index
    %get3A_178 = arith.index_cast %multiple_of3A_176 : i32 to index
    %get3A_179 = vector.load %arg3[%get3A_177, %get3A_178] : memref<128x4096xf32, #tpu.memory_space<vmem>>, vector<128x2048xf32>
    %swap3A_180 = arith.constant 0 : index
    %swap3A_181 = arith.constant 0 : index
    %swap3A_182 = arith.constant 1792 : index
    %swap3A_183 = arith.constant 0 : index
    %swap3A_184 = vector.load %arg2[%swap3A_180, %swap3A_181, %swap3A_182, %swap3A_183] : memref<1x1x2048x2048xf32, #tpu.memory_space<vmem>>, vector<1x1x128x2048xf32>
    %swap3A_185 = vector.shape_cast %swap3A_184 : vector<1x1x128x2048xf32> to vector<128x2048xf32>
    %swap3A_186 = vector.shape_cast %get3A_179 : vector<128x2048xf32> to vector<1x1x128x2048xf32>
    tpu.vector_store %arg2[%swap3A_180, %swap3A_181, %swap3A_182, %swap3A_183], %swap3A_186 {strides = array<i32>} : memref<1x1x2048x2048xf32, #tpu.memory_space<vmem>>, vector<1x1x128x2048xf32>,
    %multiple_of3A_187 = arith.constant 128 : i32
    %multiple_of3A_188 = tpu.assume_multiple %multiple_of3A_187, 128 : i32
    %get3A_189 = arith.constant 0 : index
    %get3A_190 = arith.index_cast %multiple_of3A_188 : i32 to index
    %get3A_191 = vector.load %arg3[%get3A_189, %get3A_190] : memref<128x4096xf32, #tpu.memory_space<vmem>>, vector<128x2048xf32>
    %swap3A_192 = arith.constant 0 : index
    %swap3A_193 = arith.constant 0 : index
    %swap3A_194 = arith.constant 1920 : index
    %swap3A_195 = arith.constant 0 : index
    %swap3A_196 = vector.load %arg2[%swap3A_192, %swap3A_193, %swap3A_194, %swap3A_195] : memref<1x1x2048x2048xf32, #tpu.memory_space<vmem>>, vector<1x1x128x2048xf32>
    %swap3A_197 = vector.shape_cast %swap3A_196 : vector<1x1x128x2048xf32> to vector<128x2048xf32>
    %swap3A_198 = vector.shape_cast %get3A_191 : vector<128x2048xf32> to vector<1x1x128x2048xf32>
    tpu.vector_store %arg2[%swap3A_192, %swap3A_193, %swap3A_194, %swap3A_195], %swap3A_198 {strides = array<i32>} : memref<1x1x2048x2048xf32, #tpu.memory_space<vmem>>, vector<1x1x128x2048xf32>,
    return
  }
  func.func @transform_0(%arg0: i32) -> (i32, i32, i32) {
    %c0_i32 = arith.constant 0 : i32
    %c0_i32_0 = arith.constant 0 : i32
    %c0_i32_1 = arith.constant 0 : i32
    return %arg0, %c0_i32, %c0_i32_0 : i32, i32, i32
  }
  func.func @transform_1(%arg0: i32) -> (i32, i32, i32, i32) {
    %c0_i32 = arith.constant 0 : i32
    %c0_i32_0 = arith.constant 0 : i32
    %c0_i32_1 = arith.constant 0 : i32
    %c0_i32_2 = arith.constant 0 : i32
    return %c0_i32, %arg0, %c0_i32_0, %c0_i32_1 : i32, i32, i32, i32
  }
}

</mosaic_0001>

<sc_bundles>
// kernel: kernel.4.cloned.1.call-start
scs
__scs_entry_jumppad:
0x0: {  	(pc) =	sbr.rel $0x88, $3  }
0x1: {  	(tag) =	ssettag $0x0;
	lr =	simm.s32 $0x1  }
0x2: {  	[smem:$0x3FA0] =	sst lr;
	_ =	strace $0xD0000000  }
0x3: {  	_ = 	snop  }
0x4: {  	_ = 	snop  }
0x5: {  	_ = 	snop  }
0x6: {  	_ = 	snop  }
0x7: {  	_ = 	snop  }
__scs_overlays_trampoline_lowered:
0x8: {  	[smem:$0x3FAF] =	sst s0  }
0x9: {  	[smem:$0x3FB0] =	sst s1  }
0xa: {  	[smem:$0x3FB1] =	sst s2  }
0xb: {  	[smem:$0x3FB2] =	sst s3  }
0xc: {  	[smem:$0x3FB3] =	sst s4  }
0xd: {  	[smem:$0x3FB4] =	sst s5  }
0xe: {  	[smem:$0x3FB5] =	sst s6  }
0xf: {  	[smem:$0x3FB6] =	sst s7  }
0x10: {  	[smem:$0x3FB7] =	sst s8  }
0x11: {  	[smem:$0x3FB8] =	sst s9;
	s0 =	simm.s32 @!p0 $0x0  }
0x12: {  	s1 =	sld [smem:$0x3F9E];
	s0 =	simm.s32 @p0 $0x1  }
0x13: {  	[smem:$0x3FB9] =	sst s0;
	s0 =	simm.s32 @!p1 $0x0  }
0x14: {  	s2 =	sld [smem:$0x3F9D];
	s0 =	simm.s32 @p1 $0x1  }
0x15: {  	[smem:$0x3FBA] =	sst s0;
	s0 =	simm.s32 @!p2 $0x0  }
0x16: {  	s3 =	sld [smem:$0x3FDB];
	s0 =	simm.s32 @p2 $0x1  }
0x17: {  	s4 =	simm.s32 $0x1BF5;
	[smem:$0x3FBC] =	sst s0  }
0x18: {  	s0 =	sld [smem:$0x3F9F];
	_ =	swait.ge [sflag:s4], $0x0  }
0x19: {  	s7 =	sld [smem:$0x3FA0]  }
0x1a: {  	s8 =	sadd.s32 $0xFFFFE003, lr  }
0x1b: {  	s9 =	sadd.s32 $0xFFFFFEF7, lr;
	s5 =	simm.s32 $0xFFFFFFFF;
	p2 =	slt.u32 s8, $0xFFFFF086  }
0x1c: {  	p1 =	slt.u32 s9, $0xF7A;
	s5 =	simm.s32 @!p2 $0x0  }
0x1d: {  	s5 =	simm.s32 @p1 $0x1;
	p0 =	seq.s32 s7, s2  }
0x1e: {  	s7 =	smul.u32 @!p0 $0xF7A, s2;
	p2 =	seq.s32 @!p0 s5, $0x0  }
0x1f: {  	s9 =	smul.u32 $0xF7A, s1;
	s8 =	simm.s32 @!p0 $0x1BF5;
	p2 =	por !p2, p0  }
0x20: {  	[sflag:s8] =	ssyncset.s32 @!p0 $0xFFFFF086;
	s6 =	sadd.s32 @!p0 s3, s7;
	s7 =	simm.s32 @!p0 $0x108  }
0x21: {  	s3 =	sadd.s32 s3, s9;
	s6 =	sadd.s32 @!p0 $0x88, s6;
	s7 =	simm.s32 @p2 $0x1082  }
0x22: {  	[simem:s7], [sflag:s8] =	dma.local @!p0 [hbm:s6], $0xF7A  }
0x23: {  	s9 =	sor.u32 $0xD0000000, s2;
	s6 =	simm.s32 $0x108;
	_ =	swait.ge @!p0 [sflag:s8], $0x0  }
0x24: {  	s3 =	sadd.s32 $0x88, s3;
	s6 =	simm.s32 @!p1 $0x1082;
	[sflag:s4] =	ssyncset.s32 $0xFFFFF086  }
0x25: {  	[simem:s6], [sflag:s4] =	dma.local [hbm:s3], $0xF7A  }
0x26: {  	[smem:$0x3FA0] =	sst s1;
	(tag) =	ssettag s2;
	_ =	strace s9  }
0x27: {  	s1 =	sld [smem:$0x3FB0]  }
0x28: {  	s2 =	sld [smem:$0x3FB1]  }
0x29: {  	s4 =	sld [smem:$0x3FB3]  }
0x2a: {  	p0 =	seq.s32 s5, $0x0;
	s5 =	sld [smem:$0x3FB4]  }
0x2b: {  	s6 =	sld [smem:$0x3FB5]  }
0x2c: {  	s7 =	sld [smem:$0x3FB6]  }
0x2d: {  	s3 =	simm.s32 $0x108;
	s8 =	sld [smem:$0x3FB7]  }
0x2e: {  	s3 =	simm.s32 @!p0 $0x1082;
	s9 =	sld [smem:$0x3FB8]  }
0x2f: {  	lr =	sadd.s32 s0, s3;
	s0 =	sld [smem:$0x3FAF]  }
0x30: {  	s3 =	sld [smem:$0x3FB2]  }
0x31: {  	[smem:$0x3FBB] =	sst s10  }
0x32: {  	s10 =	sld [smem:$0x3FB9];
	_ =	sdelay $0x3  }
0x33: {  	p0 =	seq.s32 s10, $0x1;
	s10 =	sld [smem:$0x3FBB];
	_ =	sdelay $0x3  }
0x34: {  	[smem:$0x3FBB] =	sst s10  }
0x35: {  	s10 =	sld [smem:$0x3FBA];
	_ =	sdelay $0x3  }
0x36: {  	p1 =	seq.s32 s10, $0x1;
	s10 =	sld [smem:$0x3FBB];
	_ =	sdelay $0x3  }
0x37: {  	[smem:$0x3FBB] =	sst s10  }
0x38: {  	s10 =	sld [smem:$0x3FBC]  }
0x39: {  	_ = 	snop;
	(pc) =	sbr.ind lr, $3  }
0x3a: {  	_ = 	snop  }
0x3b: {  	_ = 	snop  }
0x3c: {  	p2 =	seq.s32 s10, $0x1;
	s10 =	sld [smem:$0x3FBB]  }
0x3d: {  	_ =	shalt  }
0x3e: {  	_ =	shalt  }
0x3f: {  	_ =	shalt  }
0x40: {  	_ =	shalt  }
0x41: {  	_ =	shalt  }
0x42: {  	_ =	shalt  }
0x43: {  	_ =	shalt  }
0x44: {  	_ =	shalt  }
0x45: {  	_ =	shalt  }
0x46: {  	_ =	shalt  }
0x47: {  	_ =	shalt  }
0x48: {  	_ =	shalt  }
0x49: {  	_ =	shalt  }
0x4a: {  	_ =	shalt  }
0x4b: {  	_ =	shalt  }
0x4c: {  	_ =	shalt  }
0x4d: {  	_ =	shalt  }
0x4e: {  	_ =	shalt  }
0x4f: {  	_ =	shalt  }
0x50: {  	_ =	shalt  }
0x51: {  	_ =	shalt  }
0x52: {  	_ =	shalt  }
0x53: {  	_ =	shalt  }
0x54: {  	_ =	shalt  }
0x55: {  	_ =	shalt  }
0x56: {  	_ =	shalt  }
0x57: {  	_ =	shalt  }
0x58: {  	_ =	shalt  }
0x59: {  	_ =	shalt  }
0x5a: {  	_ =	shalt  }
0x5b: {  	_ =	shalt  }
0x5c: {  	_ =	shalt  }
0x5d: {  	_ =	shalt  }
0x5e: {  	_ =	shalt  }
0x5f: {  	_ =	shalt  }
0x60: {  	_ =	shalt  }
0x61: {  	_ =	shalt  }
0x62: {  	_ =	shalt  }
0x63: {  	_ =	shalt  }
0x64: {  	_ =	shalt  }
0x65: {  	_ =	shalt  }
0x66: {  	_ =	shalt  }
0x67: {  	_ =	shalt  }
0x68: {  	_ =	shalt  }
0x69: {  	_ =	shalt  }
0x6a: {  	_ =	shalt  }
0x6b: {  	_ =	shalt  }
0x6c: {  	_ =	shalt  }
0x6d: {  	_ =	shalt  }
0x6e: {  	_ =	shalt  }
0x6f: {  	_ =	shalt  }
0x70: {  	_ =	shalt  }
0x71: {  	_ =	shalt  }
0x72: {  	_ =	shalt  }
0x73: {  	_ =	shalt  }
0x74: {  	_ =	shalt  }
0x75: {  	_ =	shalt  }
0x76: {  	_ =	shalt  }
0x77: {  	_ =	shalt  }
0x78: {  	_ =	shalt  }
0x79: {  	_ =	shalt  }
0x7a: {  	_ =	shalt  }
0x7b: {  	_ =	shalt  }
0x7c: {  	_ =	shalt  }
0x7d: {  	_ =	shalt  }
0x7e: {  	_ =	shalt  }
0x7f: {  	_ =	shalt  }
0x80: {  	_ =	shalt  }
0x81: {  	_ =	shalt  }
0x82: {  	_ =	shalt  }
0x83: {  	_ =	shalt  }
0x84: {  	_ =	shalt  }
0x85: {  	_ =	shalt  }
0x86: {  	_ =	shalt  }
0x87: {  	_ =	shalt  }
.Lfunc_end0:
.L_simem_size_0:
called_computation_lowered:
.L_overlay_start_0:
0x88: {  	s2 =	sld [smem:$0x3FD9]  }
0x89: {  	s3 =	sld [smem:$0x3FFE];
	_ =	sdelay $0x1  }
0x8a: {  	s1 =	srdreg.scid  }
0x8b: {  	s0 =	sand.u32 $0x1, s1  }
0x8c: {  	s17 =	sshll.u32 s0, $0xA;
	s2 =	sadd.s32 s3, s2  }
0x8d: {  	s2 =	sadd.s32 s2, s17  }
0x8e: {  	[smem:$0x3FC7] =	sst s2  }
0x8f: {  	_ = 	snop  }
0x90: {  	s2 =	sld [smem:$0x3FD0];
	(tm) =	ssettm $0x1  }
0x91: {  	s18 =	sld [smem:$0x3FFB];
	_ =	sdelay $0x3  }
0x92: {  	_ =	strace s18  }
0x93: {  	s3 =	sld [smem:$0x3FFC];
	_ =	sdelay $0x3  }
0x94: {  	_ =	strace s3  }
0x95: {  	s3 =	sld [smem:$0x3FFD];
	_ =	sdelay $0x3  }
0x96: {  	_ =	strace s3  }
0x97: {  	_ =	strace $0x8FFFFFFF  }
0x98: {  	s19 =	sld [smem:$0x3FDB];
	_ =	sdelay $0x1  }
0x99: {  	s4 =	simm.s32 $_scs_section_size  }
0x9a: {  	s5 =	simm.s32 $_size__tile_overlayer_lowered;
	s6 =	simm.s32 $_tile_overlayer_lowered  }
0x9b: {  	s22 =	simm.s32 $0x1BFF;
	s21 =	sshll.u32 s6, $0x1;
	s3 =	sadd.s32 s4, s19  }
0x9c: {  	s7 =	simm.s32 $0x0;
	s20 =	sshll.u32 s5, $0x1;
	s5 =	sadd.s32 s21, s3  }
0x9d: {  	[timem:s7], [sflag:s22] =	dma.local [hbm:s5], s20  }
0x9e: {  	_ =	swait.ge [sflag:s22], s20  }
0x9f: {  	s4 =	ssub.s32 $0x0, s20;
	[sflag:s22] =	ssyncset.done $0x0  }
0xa0: {  	[sflag:s22] =	ssyncadd.s32 s4;
	_ =	sdelay $0x1  }
0xa1: {  	s23 =	simm.s32 $0x1B8B  }
0xa2: {  	_ =	swait.ge [sflag:s23], $0x1  }
0xa3: {  	[sflag:s23] =	ssyncset.done $0x0  }
0xa4: {  	s25 =	simm.s32 $0x1B8E;
	s24 =	sld [smem:$0x3FFE];
	[sflag:s23] =	ssyncadd.s32 $0xFFFFFFFF  }
0xa5: {  	s26 =	simm.s32 $execute0_lowered;
	[smem:$0x3FD2] =	sst s25  }
0xa6: {  	s5 =	sshll.u32 s26, $0x1;
	_ =	strace $0x80000046;
	[dreg:$0x1] =	wrdreg $0xFFFFFFFF  }
0xa7: {  	s28 =	simm.s32 $_size_execute0_lowered;
	s3 =	sadd.s32 s3, s5;
	[dreg:$0x0] =	wrdreg $0x0  }
0xa8: {  	s5 =	sshll.u32 s28, $0x1;
	[dreg:$0x2] =	wrdreg s3  }
0xa9: {  	[dreg:$0x3] =	wrdreg s5  }
0xaa: {  	[dreg:$0x4] =	wrdreg $0xC0  }
0xab: {  	_ =	task [dreg:s7], $0x5FFFF  }
0xac: {  	[dreg:$0x1] =	wrdreg $0xFFFFFFFF  }
0xad: {  	[dreg:$0x0] =	wrdreg $0x60  }
0xae: {  	[dreg:$0x2] =	wrdreg s24  }
0xaf: {  	[dreg:$0x3] =	wrdreg s2  }
0xb0: {  	[dreg:$0x4] =	wrdreg $0x9  }
0xb1: {  	_ =	task.clear_ibuf [dreg:s7], $0x5FFFF;
	_ =	strace $0x90000046  }
0xb2: {  	s29 =	simm.s32 $0x9;
	_ =	strace $0x80000048  }
0xb3: {  	_ =	swait.ge [sflag:s29], $0x1  }
0xb4: {  	[sflag:s29] =	ssyncadd.s32 $0xFFFFFFFF  }
0xb5: {  	_ =	strace $0x90000048  }
0xb6: {  	_ =	sfence  }
0xb7: {  	s30 =	sld [smem:$0x0];
	_ =	sdelay $0x2  }
0xb8: {  	s31 =	sshll.u32 s1, $0xD;
	s1 =	sshrl.u32 s1, $0x2  }
0xb9: {  	s3 =	sand.u32 $0x4000, s31;
	s1 =	sadd.s32 s1, s30  }
0xba: {  	s0 =	sor.u32 s3, s0;
	s1 =	sshll.u32 s1, $0x11  }
0xbb: {  	s0 =	sor.u32 s1, s0  }
0xbc: {  	s0 =	sadd.s32 $0x8F2B, s0  }
0xbd: {  	[sflag:s0] =	ssyncadd.remote.s32 $0x1  }
0xbe: {  	_ =	sfence.sel $0xFFFF  }
0xbf: {  	[dreg:$0x0] =	wrdreg $0xFFFFFFFF;
	(pc) =	sbr.abs _section_cstart, $3  }
0xc0: {  	[dreg:$0x1] =	wrdreg $0xFFFFFFFF  }
0xc1: {  	_ =	task.clear_ibuf [dreg:s7], $0x2FFFF;
	_ =	strace $0x9FFFFFFF  }
0xc2: {  	(tm) =	ssettm $0x7FFFFFFF  }
0xc3: {  	_ =	shalt  }
tec
execute0_lowered:
.L_overlay_start_1:
0x0: {  	(tag) =	ssettag $0x1  }
0x1: {  	s3 =	rddreg [dreg:$0x0]  }
0x2: {  	s7 =	rddreg [dreg:$0x1]  }
0x3: {  	s0 =	rddreg [dreg:$0x2];
	s4 =	srdreg.scid  }
0x4: {  	s2 =	simm.s32 $0x0;
	s1 =	stileid.u32;
	s11 =	simm.s32 $0x0  }
0x5: {  	s4 =	sand.u32 $0x1, s4;
	[smem:$0x7FF] =	sst s2;
	s6 =	sshll.u32 s1, $0x1  }
0x6: {  	s3 =	sadd.s32 $0x600, s3;
	s5 =	ssub.s32 $0x2, s4;
	_ =	strace $0x80000047  }
0x7: {  	v0 =	vlaneseq.u32;
	s6 =	sor.u32 s4, s6;
	s4 =	sshll.u32 s4, $0xB;
	s8 =	sshrl.u32 s5, $0x1  }
0x8: {  	v0 =	vmul.u32 $0xFFFFFFFF, v0;
	s9 =	sshll.u32 s6, $0x4;
	s10 =	sshll.u32 s6, $0x8;
	s8 =	ssub.s32 s5, s8  }
0x9: {  	s5 =	sand.u32 $0x1E0, s9;
	s6 =	sor.u32 $0x10, s9;
	s7 =	sadd.s32 s7, s10  }
0xa: {  	v0 =	vadd.s32 $0x800, v0;
	s9 =	simm.s32 $0x1;
	s10 =	simm.s32 $0x200;
	s8 =	smax.u32 s8, $0x1  }
.LBB2_1:
0xb: {  	v1 =	vmov s4  }
0xc: {  	[tilespmem:s2], [sflag:$0x1] =	stream.linear.gather [hbm4b:s3+s2], $0x200, $0x38;
	v3 =	vsub.s32 v0, v1;
	[tilespmem:$0xA00] =	vst v63  }
0xd: {  	_ =	swait.ge [sflag:s9], $0x200;
	v1 =	vmul.u32 v3, v3  }
0xe: {  	[sflag:s9] =	ssyncset.done $0x0  }
0xf: {  	[sflag:s9] =	ssyncadd.s32 $0xFFFFFE00;
	v2 =	vcvt.s32.f32 v1  }
0x10: {  	s14 =	sadd.s32 $0x10, s4;
	v1 =	vld [tilespmem:s5+$0x0]  }
0x11: {  	v4 =	vmov s14;
	v5 =	vsub.s32 $0x0, v3;
	v6 =	vshrl.u32 v2, $0x17;
	v2 =	vld [tilespmem:s6+$0x0]  }
0x12: {  	s12 =	simm.s32 $0x40;
	s15 =	simm.s32 $0x80;
	s13 =	simm.s32 $0x0;
	v4 =	vsub.s32 v0, v4;
	v5 =	vmin.u32 v3, v5;
	v6 =	vmin.u32 v6, $0x8C  }
.LBB2_2:
0x13: {  	p0 =	sne.s32 s15, $0x1FC0;
	v7 =	vmul.u32 v4, v4;
	v6 =	vadd.s32 $0xFFFFFF83, v6;
	vm0 =	vlt.u32 v5, $0x8  }
0x14: {  	v8 =	vshrl.u32 v3, $0x1B;
	v3 =	vmov v4;
	v5 =	vsel vm0, v5, v6  }
.Ltmp0:
0x15: {  	v6 =	vand.u32 $0x10, v8;
	v4 =	vcvt.s32.f32 v7;
	v7 =	vand.u32 $0xF, v5;
	(pc) =	sbr.rel @p0 .LBB2_2-.Ltmp0, $4  }
0x16: {  	s14 =	sadd.s32 $0x10, s14;
	v5 =	vadd.s32 v6, v5;
	v6 =	vperm.xlane v1, v7;
	v7 =	vperm.xlane v2, v7  }
0x17: {  	v8 =	vmov s14;
	vm0 =	vlt.s32 v5, $0x10  }
0x18: {  	s16 =	sshra.s32 s13, $0x2;
	s13 =	smov.u32 s12;
	s12 =	smov.u32 s15;
	v5 =	vsub.s32 $0x0, v3;
	v9 =	vshrl.u32 v4, $0x17;
	v7 =	vsel vm0, v6, v7  }
0x19: {  	s15 =	sadd.s32 $0x40, s15;
	v4 =	vsub.s32 v0, v8;
	v5 =	vmin.u32 v3, v5;
	v6 =	vmin.u32 v9, $0x8C;
	[tilespmem:s16+$0x200] =	vst v7  }
0x1a: {  	v7 =	vmul.u32 v4, v4;
	_ =	sdelay $0x1  }
0x1b: {  	v6 =	vadd.s32 $0xFFFFFF83, v6;
	vm0 =	vlt.u32 v5, $0x8;
	v7 =	vcvt.s32.f32 v7  }
0x1c: {  	v59 =	vsub.s32 $0x0, v4;
	v3 =	vshrl.u32 v3, $0x1B;
	v61 =	vshrl.u32 v4, $0x1B  }
0x1d: {  	v5 =	vsel vm0, v5, v6;
	v6 =	vmin.u32 v4, v59;
	v7 =	vshrl.u32 v7, $0x17  }
0x1e: {  	v3 =	vand.u32 $0x10, v3;
	vm13 =	vlt.u32 v6, $0x8;
	v7 =	vmin.u32 v7, $0x8C  }
0x1f: {  	v3 =	vadd.s32 v3, v5;
	v5 =	vand.u32 $0xF, v5;
	v7 =	vadd.s32 $0xFFFFFF83, v7  }
0x20: {  	v60 =	vperm.xlane v1, v5;
	v5 =	vperm.xlane v2, v5;
	v6 =	vsel vm13, v6, v7  }
0x21: {  	vm14 =	vlt.s32 v3, $0x10;
	v3 =	vand.u32 $0x10, v61;
	v62 =	vand.u32 $0xF, v6  }
0x22: {  	v3 =	vadd.s32 v3, v6;
	v1 =	vperm.xlane v1, v62;
	v2 =	vperm.xlane v2, v62  }
0x23: {  	s13 =	sshra.s32 s13, $0x2;
	s11 =	sadd.s32 $0x1, s11;
	v63 =	vsel vm14, v60, v5;
	vm15 =	vlt.s32 v3, $0x10  }
0x24: {  	s12 =	sshra.s32 s12, $0x2;
	p0 =	sne.s32 s11, s8;
	[tilespmem:s13+$0x200] =	vst v63;
	v1 =	vsel vm15, v1, v2  }
.Ltmp1:
0x25: {  	[tilespmem:s12+$0x200] =	vst v1;
	(pc) =	sbr.rel @p0 .LBB2_1-.Ltmp1, $4  }
0x26: {  	[hbm4b:s7+s2] =	stream.linear.scatter [tilespmem:s10], [sflag:$0x1], $0x800, $0x38;
	[tilespmem:$0xA00] =	vst v63  }
0x27: {  	_ =	swait.ge [sflag:s9], $0x800  }
0x28: {  	[sflag:s9] =	ssyncset.done $0x0  }
0x29: {  	[sflag:s9] =	ssyncadd.s32 $0xFFFFF800  }
0x2a: {  	_ =	sfence.sel $0x180000  }
0x2b: {  	[bflag:$0x0] =	sbarrier.arrive $0xFFFF  }
0x2c: {  	p0 =	sne.s32 s1, $0x0;
	_ =	strace $0x90000047  }
0x2d: {  	s0 =	sadd.s32 @!p0 $0x100000, s0;
	[bflag:$0x2] =	sbarrier.arrive $0xFFFF  }
0x2e: {  	[sflag:s0] =	ssyncadd.tile.s32 @!p0 $0x1;
	_ =	shalt  }
.Lfunc_end2:
_tile_overlayer_lowered:
.L_overlay_start_2:
0x2f: {  	(tag) =	ssettag $0x2  }
0x30: {  	s0 =	rddreg [dreg:$0x0];
	s2 =	stileid.u32  }
0x31: {  	s1 =	rddreg [dreg:$0x1];
	p0 =	sne.s32 s2, $0x0  }
0x32: {  	s3 =	rddreg [dreg:$0x2];
	[bflag:$0x3] =	sbarrier.arrive $0xFFFF;
	s2 =	simm.s32 @!p0 $0x1C01  }
0x33: {  	[timem:s3], [sflag:s2] =	dma.local @!p0 [hbm:s0], s1  }
0x34: {  	s0 =	simm.s32 @!p0 $0x1  }
0x35: {  	_ =	swait.ge @!p0 [sflag:s0], s1  }
0x36: {  	s1 =	ssub.s32 @!p0 $0x0, s1;
	[sflag:s0] =	ssyncset.done @!p0 $0x0  }
0x37: {  	[sflag:s0] =	ssyncadd.s32 @!p0 s1  }
0x38: {  	[bflag:$0x3] =	sbarrier.arrive $0xFFFF  }
0x39: {  	_ =	shalt  }

</sc_bundles>
